<compile_context>
chip_gen: v7x
topology: tpu7x:2x2x1
jax: 0.10.2.dev20260603
libtpu: 0.0.44.dev20260713+nightly
codegen_flags: <defaults>
</compile_context>

<pallas_src>
import jax
import jax.numpy as jnp
from jax.experimental import pallas as pl

SOLVER_ITER = 100
KNN = 32


def _outproj_kernel(h_ref, w_ref, b_ref, o_ref):
    o_ref[...] = (
        jax.lax.dot_general(
            w_ref[...], h_ref[...], (((1,), (0,)), ((), ())),
            preferred_element_type=jnp.float32,
            precision=jax.lax.Precision.HIGHEST,
        )
        + b_ref[...]
    )


def _sinkhorn(Kmat, u, v, n_iter):
    c = jnp.ones_like(v)
    r = jnp.ones_like(u)
    for _ in range(n_iter):
        r = u / jnp.einsum('bnm,bm->bn', Kmat, c)
        c = v / jnp.einsum('bnm,bn->bm', Kmat, r)
    return r[:, :, None] * c[:, None, :] * Kmat


def kernel(fmap1, fmap2, xyz1, xyz2, bc1, bc2, W1, g1, b1, W2, g2, b2, W_out, b_out):
    B, c1, n1 = fmap1.shape
    n2 = fmap2.shape[2]
    sn = fmap1 / jnp.maximum(jnp.linalg.norm(fmap1, axis=1, keepdims=True), 1e-12)
    tn = fmap2 / jnp.maximum(jnp.linalg.norm(fmap2, axis=1, keepdims=True), 1e-12)
    f_sim = jnp.einsum('bcn,bcm->bnm', sn, tn)
    d2 = (jnp.sum(xyz1 ** 2, -1)[:, :, None] + jnp.sum(xyz2 ** 2, -1)[:, None, :]
          - 2.0 * jnp.einsum('bnd,bmd->bnm', xyz1, xyz2))
    g_sim = jnp.sqrt(jnp.maximum(d2, 1e-12))
    cost = jnp.clip(1.0 - f_sim + 0.1 * g_sim, 0.0, 1.0)
    Kmat = jnp.exp(-cost / 0.1)
    v = jnp.full((B, n2), 1.0 / n2, jnp.float32)
    t_avg = jnp.mean(fmap2, axis=2)
    att = jax.nn.relu(jnp.einsum('bc,bcn->bn', t_avg, fmap1))
    u = att / (jnp.sum(att, axis=1, keepdims=True) + 1e-6)
    T = _sinkhorn(Kmat, u, v, SOLVER_ITER)
    T = jnp.clip(T, 1e-7, 1.0)
    _, neighbors = jax.lax.top_k(T, KNN)
    knn_corr = jnp.take_along_axis(T, neighbors, axis=2)[:, None, :, :]
    clue2 = jnp.concatenate([jnp.transpose(xyz2, (0, 2, 1)),
                             jnp.transpose(bc2, (0, 2, 1)), fmap2], axis=1)
    knn_clue2 = jax.vmap(lambda c2b, nb: c2b[:, nb])(clue2, neighbors)
    feat = jnp.concatenate([knn_corr[:, None, :, :] if knn_corr.ndim == 3 else knn_corr,
                            knn_clue2], axis=1)
    h = jax.nn.relu(g1[None, :, None, None] * jnp.einsum('oc,bcnk->bonk', W1, feat) + b1[None, :, None, None])
    h = jax.nn.relu(g2[None, :, None, None] * jnp.einsum('oc,bcnk->bonk', W2, h) + b2[None, :, None, None])
    h = jnp.max(h, axis=3)

    out = jax.vmap(
        lambda hb: pl.pallas_call(
            _outproj_kernel,
            out_shape=jax.ShapeDtypeStruct((32, n1), jnp.float32),
        )(hb, W_out, b_out[:, None])
    )(h)
    return out

# --- scband reference (transcript-rebuilt; emitter-appended) ---
"""Pipeline reference for scband-otxcorr-39127152067010 (READ-ONLY COPY).

The authoritative reference and input builder live on the scoring server;
editing this copy changes nothing except your own understanding.
"""

import jax, jax.numpy as jnp
import numpy as np

SOLVER_ITER = 100
KNN = 32


def setup_inputs(seed: int = 0) -> dict:
    key = jax.random.key(seed)
    ks = jax.random.split(key, 10)
    B, C, N1, N2 = 2, 256, 4096, 4096
    Cin = 1 + 3 + 9 + 256
    return {
        "fmap1": jax.random.normal(ks[0], (B, C, N1), jnp.float32),
        "fmap2": jax.random.normal(ks[1], (B, C, N2), jnp.float32),
        "xyz1": jax.random.normal(ks[2], (B, N1, 3), jnp.float32),
        "xyz2": jax.random.normal(ks[3], (B, N2, 3), jnp.float32),
        "bc1": jax.random.uniform(ks[4], (B, N1, 9), dtype=jnp.float32),
        "bc2": jax.random.uniform(ks[5], (B, N2, 9), dtype=jnp.float32),
        "W1": jax.random.normal(ks[6], (128, Cin), jnp.float32) * 0.05,
        "g1": jnp.ones((128,), jnp.float32),
        "b1": jnp.zeros((128,), jnp.float32),
        "W2": jax.random.normal(ks[7], (256, 128), jnp.float32) * 0.05,
        "g2": jnp.ones((256,), jnp.float32),
        "b2": jnp.zeros((256,), jnp.float32),
        "W_out": jax.random.normal(ks[8], (32, 256), jnp.float32) * 0.05,
        "b_out": jnp.zeros((32,), jnp.float32),
    }


def _sinkhorn(Kmat, u, v, n_iter):
    r = jnp.ones_like(u)
    c = jnp.ones_like(v)
    for _ in range(n_iter):
        r = u / jnp.einsum('bnm,bm->bn', Kmat, c)
        c = v / jnp.einsum('bnm,bn->bm', Kmat, r)
    return r[:, :, None] * c[:, None, :] * Kmat


def _forward(fmap1, fmap2, xyz1, xyz2, bc1, bc2, W1, g1, b1, W2, g2, b2, W_out, b_out):
    B, c1, n1 = fmap1.shape
    n2 = fmap2.shape[2]
    # calc_similarity
    sn = fmap1 / jnp.maximum(jnp.linalg.norm(fmap1, axis=1, keepdims=True), 1e-12)
    tn = fmap2 / jnp.maximum(jnp.linalg.norm(fmap2, axis=1, keepdims=True), 1e-12)
    f_sim = jnp.einsum('bcn,bcm->bnm', sn, tn)
    d2 = (jnp.sum(xyz1 ** 2, -1)[:, :, None] + jnp.sum(xyz2 ** 2, -1)[:, None, :]
          - 2.0 * jnp.einsum('bnd,bmd->bnm', xyz1, xyz2))
    g_sim = jnp.sqrt(jnp.maximum(d2, 1e-12))
    cost = jnp.clip(1.0 - f_sim + 0.1 * g_sim, 0.0, 1.0)
    Kmat = jnp.exp(-cost / 0.1)
    v = jnp.full((B, n2), 1.0 / n2, jnp.float32)
    t_avg = jnp.mean(fmap2, axis=2)
    att = jax.nn.relu(jnp.einsum('bc,bcn->bn', t_avg, fmap1))
    u = att / (jnp.sum(att, axis=1, keepdims=True) + 1e-6)
    T = _sinkhorn(Kmat, u, v, SOLVER_ITER)
    T = jnp.clip(T, 1e-7, 1.0)
    # kNN retrieval over template points
    _, neighbors = jax.lax.top_k(T, KNN)  # [B, n1, KNN]
    knn_corr = jnp.take_along_axis(T, neighbors, axis=2)[:, None, :, :]  # [B,1,n1,KNN]
    clue2 = jnp.concatenate([jnp.transpose(xyz2, (0, 2, 1)),
                             jnp.transpose(bc2, (0, 2, 1)), fmap2], axis=1)  # [B,268,n2]
    knn_clue2 = jax.vmap(lambda c2b, nb: c2b[:, nb])(clue2, neighbors)  # [B,268,n1,KNN]
    feat = jnp.concatenate([knn_corr, knn_clue2], axis=1)  # [B,269,n1,KNN]
    # SharedMLP [269 -> 128 -> 256] (1x1 conv + BN(affine) + ReLU)
    h = jax.nn.relu(g1[None, :, None, None] * jnp.einsum('oc,bcnk->bonk', W1, feat) + b1[None, :, None, None])
    h = jax.nn.relu(g2[None, :, None, None] * jnp.einsum('oc,bcnk->bonk', W2, h) + b2[None, :, None, None])
    h = jnp.max(h, axis=3)  # max over kNN dim
    return jnp.einsum('oc,bcn->bon', W_out, h) + b_out[None, :, None]


def reference(fmap1, fmap2, xyz1, xyz2, bc1, bc2, W1, g1, b1, W2, g2, b2, W_out, b_out):
    return _forward(fmap1, fmap2, xyz1, xyz2, bc1, bc2,
                    W1, g1, b1, W2, g2, b2,
                    W_out, b_out)

if __name__ == "__main__":
    import jax
    _d = setup_inputs()
    print(jax.jit(kernel)(*tuple(_d.values())))

</pallas_src>

<mosaic_0001>
module attributes {stable_mosaic.version = 14 : i64} {
  func.func @_outproj_kernel(%arg0: i32, %arg1: memref<1x256x4096xf32, #tpu.memory_space<vmem>>, %arg2: memref<32x256xf32, #tpu.memory_space<vmem>>, %arg3: memref<32x1xf32, #tpu.memory_space<vmem>>, %arg4: memref<1x32x4096xf32, #tpu.memory_space<vmem>>) attributes {dimension_semantics = [#tpu.dimension_semantics<parallel>], iteration_bounds = array<i64: 2>, scalar_prefetch = 0 : i64, scratch_operands = 0 : i64, tpu.core_type = #tpu.core_type<tc>, window_params = [{transform_indices = @transform_0, window_bounds = array<i64: 1, 256, 4096>}, {pipeline_mode = #tpu.pipeline_mode<synchronous>, transform_indices = @transform_1, window_bounds = array<i64: 32, 256>}, {pipeline_mode = #tpu.pipeline_mode<synchronous>, transform_indices = @transform_2, window_bounds = array<i64: 32, 1>}, {transform_indices = @transform_3, window_bounds = array<i64: 1, 32, 4096>}]} {
    %get3A = arith.constant 0 : index
    %get3A_0 = arith.constant 0 : index
    %get3A_1 = vector.load %arg2[%get3A, %get3A_0] : memref<32x256xf32, #tpu.memory_space<vmem>>, vector<32x256xf32>
    %get3A_2 = arith.constant 0 : index
    %get3A_3 = arith.constant 0 : index
    %get3A_4 = arith.constant 0 : index
    %get3A_5 = vector.load %arg1[%get3A_2, %get3A_3, %get3A_4] : memref<1x256x4096xf32, #tpu.memory_space<vmem>>, vector<1x256x4096xf32>
    %get3A_6 = vector.shape_cast %get3A_5 : vector<1x256x4096xf32> to vector<256x4096xf32>
    %dot_general3A = arith.constant dense<0.000000e+00> : vector<32x4096xf32>
    %dot_general3A_7 = tpu.matmul %get3A_1, %get3A_6, %dot_general3A {dimension_numbers = #tpu.dot_dimension_numbers<[1], [0], [0], [1], [0, 0, 1, 1], [], []>, precision = #tpu.contract_precision<fp32>, transpose_lhs_hint = false} : vector<32x256xf32>, vector<256x4096xf32>, vector<32x4096xf32> -> vector<32x4096xf32>
    %get3A_8 = arith.constant 0 : index
    %get3A_9 = arith.constant 0 : index
    %get3A_10 = vector.load %arg3[%get3A_8, %get3A_9] : memref<32x1xf32, #tpu.memory_space<vmem>>, vector<32x1xf32>
    %add3A = vector.broadcast %get3A_10 : vector<32x1xf32> to vector<32x4096xf32>
    %add3A_11 = arith.addf %dot_general3A_7, %add3A : vector<32x4096xf32>
    %swap3A = arith.constant 0 : index
    %swap3A_12 = arith.constant 0 : index
    %swap3A_13 = arith.constant 0 : index
    %swap3A_14 = vector.load %arg4[%swap3A, %swap3A_12, %swap3A_13] : memref<1x32x4096xf32, #tpu.memory_space<vmem>>, vector<1x32x4096xf32>
    %swap3A_15 = vector.shape_cast %swap3A_14 : vector<1x32x4096xf32> to vector<32x4096xf32>
    %swap3A_16 = vector.shape_cast %add3A_11 : vector<32x4096xf32> to vector<1x32x4096xf32>
    tpu.vector_store %arg4[%swap3A, %swap3A_12, %swap3A_13], %swap3A_16 {strides = array<i32>} : memref<1x32x4096xf32, #tpu.memory_space<vmem>>, vector<1x32x4096xf32>,
    return
  }
  func.func @transform_0(%arg0: i32) -> (i32, i32, i32) {
    %c0_i32 = arith.constant 0 : i32
    %c0_i32_0 = arith.constant 0 : i32
    %c0_i32_1 = arith.constant 0 : i32
    return %arg0, %c0_i32, %c0_i32_0 : i32, i32, i32
  }
  func.func @transform_1(%arg0: i32) -> (i32, i32) {
    %c0_i32 = arith.constant 0 : i32
    %c0_i32_0 = arith.constant 0 : i32
    %c0_i32_1 = arith.constant 0 : i32
    return %c0_i32, %c0_i32_0 : i32, i32
  }
  func.func @transform_2(%arg0: i32) -> (i32, i32) {
    %c0_i32 = arith.constant 0 : i32
    %c0_i32_0 = arith.constant 0 : i32
    %c0_i32_1 = arith.constant 0 : i32
    return %c0_i32, %c0_i32_0 : i32, i32
  }
  func.func @transform_3(%arg0: i32) -> (i32, i32, i32) {
    %c0_i32 = arith.constant 0 : i32
    %c0_i32_0 = arith.constant 0 : i32
    %c0_i32_1 = arith.constant 0 : i32
    return %arg0, %c0_i32, %c0_i32_0 : i32, i32, i32
  }
}

</mosaic_0001>

<sc_bundles>
// kernel: sparse-core-data-format-call.1.cloned.1.call-start
scs
called_computation.1_lowered:
.L_overlay_start_0:
0x0: {  	s1 =	sld [smem:$0x3FD9]  }
0x1: {  	s2 =	sld [smem:$0x3FFE];
	_ =	sdelay $0x1  }
0x2: {  	s3 =	srdreg.scid  }
0x3: {  	s0 =	sand.u32 $0x1, s3  }
0x4: {  	s17 =	sshll.u32 s0, $0xA;
	s1 =	sadd.s32 s2, s1  }
0x5: {  	s1 =	sadd.s32 s1, s17  }
0x6: {  	[smem:$0x3FBB] =	sst s1  }
0x7: {  	_ = 	snop  }
0x8: {  	(tm) =	ssettm $0x1  }
0x9: {  	s18 =	sld [smem:$0x3FFB];
	_ =	sdelay $0x3  }
0xa: {  	_ =	strace s18  }
0xb: {  	s1 =	sld [smem:$0x3FFC];
	_ =	sdelay $0x3  }
0xc: {  	_ =	strace s1  }
0xd: {  	s1 =	sld [smem:$0x3FFD];
	_ =	sdelay $0x3  }
0xe: {  	_ =	strace s1  }
0xf: {  	_ =	strace $0x8FFFFFFF  }
0x10: {  	s19 =	sld [smem:$0x3FDB];
	_ =	sdelay $0x1  }
0x11: {  	s20 =	simm.s32 $_scs_section_size  }
0x12: {  	s4 =	simm.s32 $_size__tile_overlayer_lowered;
	s5 =	simm.s32 $_tile_overlayer_lowered  }
0x13: {  	s23 =	simm.s32 $0x1BFF;
	s22 =	sshll.u32 s5, $0x1;
	s1 =	sadd.s32 s20, s19  }
0x14: {  	s6 =	simm.s32 $0x0;
	s21 =	sshll.u32 s4, $0x1;
	s4 =	sadd.s32 s22, s1  }
0x15: {  	[timem:s6], [sflag:s23] =	dma.local [hbm:s4], s21  }
0x16: {  	_ =	swait.ge [sflag:s23], s21  }
0x17: {  	s2 =	ssub.s32 $0x0, s21;
	[sflag:s23] =	ssyncset.done $0x0  }
0x18: {  	[sflag:s23] =	ssyncadd.s32 s2;
	_ =	sdelay $0x1  }
0x19: {  	s24 =	simm.s32 $0x1B8B  }
0x1a: {  	_ =	swait.ge [sflag:s24], $0x1  }
0x1b: {  	[sflag:s24] =	ssyncset.done $0x0  }
0x1c: {  	s26 =	simm.s32 $0x1B8E;
	s25 =	sld [smem:$0x3FFE];
	[sflag:s24] =	ssyncadd.s32 $0xFFFFFFFF  }
0x1d: {  	s27 =	simm.s32 $execute0_lowered;
	[smem:$0x3FD2] =	sst s26  }
0x1e: {  	s4 =	sshll.u32 s27, $0x1;
	_ =	strace $0x80000046;
	[dreg:$0x1] =	wrdreg $0xFFFFFFFF  }
0x1f: {  	s28 =	simm.s32 $_size_execute0_lowered;
	s1 =	sadd.s32 s1, s4;
	[dreg:$0x0] =	wrdreg $0x0  }
0x20: {  	s4 =	sshll.u32 s28, $0x1;
	[dreg:$0x2] =	wrdreg s1  }
0x21: {  	[dreg:$0x3] =	wrdreg s4  }
0x22: {  	[dreg:$0x4] =	wrdreg $0xC0  }
0x23: {  	_ =	task [dreg:s6], $0x5FFFF  }
0x24: {  	[dreg:$0x1] =	wrdreg $0xFFFFFFFF  }
0x25: {  	[dreg:$0x0] =	wrdreg $0x60  }
0x26: {  	[dreg:$0x2] =	wrdreg s25  }
0x27: {  	[dreg:$0x3] =	wrdreg $0x9  }
0x28: {  	_ =	task.clear_ibuf [dreg:s6], $0x4FFFF;
	_ =	strace $0x90000046  }
0x29: {  	s29 =	simm.s32 $0x9;
	_ =	strace $0x80000048  }
0x2a: {  	_ =	swait.ge [sflag:s29], $0x1  }
0x2b: {  	[sflag:s29] =	ssyncadd.s32 $0xFFFFFFFF  }
0x2c: {  	_ =	strace $0x90000048  }
0x2d: {  	_ =	sfence  }
0x2e: {  	s30 =	sld [smem:$0x0];
	_ =	sdelay $0x2  }
0x2f: {  	s31 =	sshll.u32 s3, $0xD;
	s3 =	sshrl.u32 s3, $0x2  }
0x30: {  	s2 =	sand.u32 $0x4000, s31;
	s1 =	sadd.s32 s3, s30  }
0x31: {  	s0 =	sor.u32 s2, s0;
	s1 =	sshll.u32 s1, $0x11  }
0x32: {  	s0 =	sor.u32 s1, s0  }
0x33: {  	s0 =	sadd.s32 $0x8F2B, s0  }
0x34: {  	[sflag:s0] =	ssyncadd.remote.s32 $0x1  }
0x35: {  	_ =	sfence.sel $0xFFFF  }
0x36: {  	[dreg:$0x0] =	wrdreg $0xFFFFFFFF;
	(pc) =	sbr.abs _section_cstart, $3  }
0x37: {  	[dreg:$0x1] =	wrdreg $0xFFFFFFFF  }
0x38: {  	_ =	task.clear_ibuf [dreg:s6], $0x2FFFF;
	_ =	strace $0x9FFFFFFF  }
0x39: {  	(tm) =	ssettm $0x7FFFFFFF  }
tec
execute0_lowered:
.L_overlay_start_1:
0x0: {  	(tag) =	ssettag $0x1  }
0x1: {  	s0 =	stileid.u32  }
0x2: {  	s1 =	srdreg.scid;
	s5 =	rddreg [dreg:$0x0];
	s31 =	simm.s32 $0x2  }
0x3: {  	s16 =	simm.s32 $0x0;
	s2 =	sshll.u32 s0, $0x6;
	s1 =	sshll.u32 s1, $0xA  }
0x4: {  	s9 =	simm.s32 $0x8000;
	s14 =	simm.s32 $0x0;
	s1 =	sor.u32 s2, s1  }
0x5: {  	s15 =	simm.s32 $0x0;
	s10 =	simm.s32 $0x0;
	s1 =	sand.u32 $0x780, s1  }
0x6: {  	s13 =	simm.s32 $0x0;
	s2 =	sand.u32 $0x1, s0;
	s3 =	ssub.s32 $0x1000, s1  }
0x7: {  	s4 =	ssub.s32 $0x2, s2;
	s12 =	smov.u32 s2;
	s6 =	sand.u32 $0x780, s3  }
0x8: {  	s7 =	sshrl.u32 s4, $0x1;
	p0 =	sne.s32 s6, $0x0;
	s6 =	simm.s32 $0x1  }
0x9: {  	s4 =	sand.u32 $0x1, s4;
	s8 =	sshrl.u32 s3, $0xB;
	s6 =	simm.s32 @!p0 $0x0  }
.Ltmp0:
0xa: {  	s4 =	sadd.s32 s4, s7;
	s6 =	sadd.s32 s6, s8;
	(pc) =	sbr.rel .LBB1_1-.Ltmp0, $4  }
0xb: {  	s11 =	smov.u32 s1;
	s3 =	rddreg [dreg:$0x1];
	s7 =	smul.u32 s6, s4  }
0xc: {  	_ =	strace $0x80000047;
	p0 =	por $0x0, $0x0;
	s6 =	simm.s32 $0x1  }
0xd: {  	s4 =	sadd.s32 $0x10000, s5;
	[sflag:s6] =	ssyncpa.u1 $0x0;
	s7 =	sshll.u32 s7, $0x5  }
0xe: {  	s5 =	sadd.s32 $0x410000, s5;
	[sflag:s31] =	ssyncpa.u1 $0x0;
	s8 =	sor.u32 $0x1, s7  }
.LBB1_4:
0xf: {  	v5 =	vld [tilespmem:s19+$0xFFFFFFD0]  }
0x10: {  	[tilespmem:s20+$0x2040 ss:$0x81] =	vst.msk $0xffff, v1;
	v58 =	vld [tilespmem:s19+$0xFFFFFFE0]  }
0x11: {  	[tilespmem:s20+$0x2850 ss:$0x81] =	vst.msk $0xffff, v2;
	v59 =	vld [tilespmem:s19+$0xFFFFFFF0]  }
0x12: {  	s21 =	sshra.s32 s21, $0x2;
	[tilespmem:s20+$0x3060 ss:$0x81] =	vst.msk $0xffff, v3;
	v60 =	vld [tilespmem:s19+$0x0]  }
0x13: {  	[tilespmem:s20+$0x0 ss:$0x81] =	vst.msk $0xffff, v0;
	v61 =	vld [tilespmem:s19+$0x10];
	s18 =	sadd.s32 s21, s18  }
0x14: {  	s26 =	sshll.u32 s16, $0xC;
	v62 =	vld [tilespmem:s19+$0x20];
	[tilespmem:s18+$0x3870 ss:$0x81] =	vst.msk $0xffff, v4  }
0x15: {  	s27 =	sand.u32 $0x78, s14;
	s22 =	sshll.u32 s14, $0x3;
	v63 =	vld [tilespmem:s19+$0xFFFFFFC0];
	s29 =	sshll.u32 s16, $0x7;
	[tilespmem:s18+$0x810 ss:$0x81] =	vst.msk $0xffff, v5  }
0x16: {  	s15 =	sshll.u32 s15, $0x15;
	s20 =	sand.u32 $0xFF8000, s26;
	s28 =	sand.u32 $0xFFFC00, s22;
	[tilespmem:s18+$0x1020 ss:$0x81] =	vst.msk $0xffff, v58  }
0x17: {  	s31 =	sand.u32 $0x7, s14;
	s22 =	sand.u32 $0xC00, s22;
	s19 =	sadd.s32 s28, s20;
	[tilespmem:s18+$0x1830 ss:$0x81] =	vst.msk $0xffff, v59  }
0x18: {  	s16 =	sand.u32 $0x380, s29;
	s30 =	sor.u32 s27, s22;
	s19 =	sshrl.u32 s19, $0x3;
	[tilespmem:s18+$0x2040 ss:$0x81] =	vst.msk $0xffff, v60  }
0x19: {  	s15 =	sadd.s32 s5, s15;
	s16 =	sor.u32 s16, s30;
	s19 =	sand.u32 $0x1FFE00, s19;
	[tilespmem:s18+$0x2850 ss:$0x81] =	vst.msk $0xffff, v61  }
0x1a: {  	s14 =	sshll.u32 s31, $0x12;
	s16 =	sshrl.u32 s16, $0x3;
	[tilespmem:s18+$0x3060 ss:$0x81] =	vst.msk $0xffff, v62;
	s15 =	sadd.s32 s19, s15  }
0x1b: {  	s14 =	sor.u32 $0x400, s14;
	[tilespmem:s18+$0x0 ss:$0x81] =	vst.msk $0xffff, v63;
	s15 =	sadd.s32 s16, s15  }
0x1c: {  	[hbm4b:s15+s14] =	stream.strided.scatter [tilespmem:s17], [sflag:$0x2], $0x4000, s9, s14, $0x20;
	[tilespmem:$0x10100] =	vst v63  }
.LBB1_5:
0x1d: {  	s17 =	sadd.s32 $0x80, s10  }
0x1e: {  	s14 =	sadd.s32 $0x800, s11;
	s18 =	smov.u32 s11;
	p2 =	sgt.s32 s17, $0xFFF  }
0x1f: {  	s18 =	smov.u32 @p2 s14  }
0x20: {  	s20 =	smov.u32 s12;
	s14 =	sadd.s32 $0x2, s12;
	p3 =	sgt.s32 s18, $0xFFF  }
0x21: {  	s20 =	smov.u32 @p3 s14  }
0x22: {  	s17 =	simm.s32 @p2 $0x0;
	p2 =	sgt.s32 s20, $0x1  }
0x23: {  	p1 =	slt.u32 s13, $0x2;
	s20 =	smov.u32 @p2 s2;
	p2 =	sne.s32 s13, s8  }
.Ltmp1:
0x24: {  	s19 =	simm.s32 @!p1 $0x2;
	(pc) =	sbr.rel @!p2 .LBB1_6-.Ltmp1, $4  }
0x25: {  	s16 =	smov.u32 s10;
	s15 =	smov.u32 s12;
	_ =	swait.ge @!p1 [sflag:s19], $0x4000  }
0x26: {  	p0 =	por !p0, !p0;
	[sflag:s19] =	ssyncset.done @!p1 $0x0;
	s10 =	smov.u32 s17  }
0x27: {  	s18 =	smov.u32 @p3 s1;
	s14 =	smov.u32 s11;
	[sflag:s19] =	ssyncadd.s32 @!p1 $0xFFFFC000  }
0x28: {  	s11 =	smov.u32 s18;
	s13 =	sadd.s32 $0x1, s13;
	s12 =	smov.u32 s20  }
.LBB1_1:
0x29: {  	p1 =	sge.u32 s13, s7;
	s31 =	sadd.s32 $0xFFFFFFFF, s13  }
0x2a: {  	s17 =	sxor.u32 @!p1 $0xFFFFFFFF, s13;
	s18 =	sand.u32 @!p1 $0x78, s10;
	s19 =	sshll.u32 @!p1 s11, $0xC  }
0x2b: {  	s20 =	sshll.u32 @!p1 s11, $0x7;
	s21 =	sshll.u32 @!p1 s10, $0x3;
	s17 =	sshll.u32 @!p1 s17, $0xE  }
0x2c: {  	s19 =	sand.u32 @!p1 $0xFF8000, s19;
	s20 =	sand.u32 @!p1 $0x380, s20;
	s17 =	sand.u32 @!p1 $0x4000, s17  }
0x2d: {  	s19 =	sadd.s32 @!p1 s19, s21;
	s21 =	sand.u32 @!p1 $0xC00, s21;
	s18 =	sor.u32 @!p1 s20, s18  }
0x2e: {  	s20 =	sshll.u32 @!p1 s12, $0x15;
	s18 =	sor.u32 @!p1 s21, s18;
	s19 =	sshrl.u32 @!p1 s19, $0x3  }
0x2f: {  	s20 =	sadd.s32 @!p1 s4, s20;
	s21 =	sand.u32 @!p1 $0x7, s10;
	s19 =	sand.u32 @!p1 $0x1FFE00, s19  }
0x30: {  	s18 =	sshrl.u32 @!p1 s18, $0x3;
	s19 =	sadd.s32 @!p1 s19, s20;
	s20 =	sshll.u32 @!p1 s21, $0x12  }
0x31: {  	s18 =	sadd.s32 @!p1 s18, s19;
	s19 =	sor.u32 @!p1 $0x400, s20;
	s20 =	simm.s32 @!p1 $0x8000  }
0x32: {  	[tilespmem:s17], [sflag:$0x1] =	stream.strided.gather @!p1 [hbm4b:s18+s19], $0x4000, s20, s19, $0x38;
	[tilespmem:$0x10100] =	vst v63  }
0x33: {  	p1 =	sge.u32 s31, s7  }
.Ltmp2:
0x34: {  	_ = 	snop;
	(pc) =	sbr.rel @p1 .LBB1_5-.Ltmp2, $1  }
0x35: {  	_ =	sdelay $0x3  }
0x36: {  	s17 =	simm.s32 $0x1  }
0x37: {  	_ =	swait.ge [sflag:s6], $0x4000;
	s17 =	simm.s32 @!p0 $0x0  }
0x38: {  	[sflag:s6] =	ssyncset.done $0x0;
	s18 =	sshll.u32 s17, $0xE  }
0x39: {  	[sflag:s6] =	ssyncadd.s32 $0xFFFFC000;
	s19 =	sor.u32 $0x40, s18  }
0x3a: {  	s17 =	smul.u32 $0x10200, s17;
	v0 =	vld [tilespmem:s19+$0x30]  }
0x3b: {  	v3 =	vld [tilespmem:s19+$0xFFFFFFD0]  }
0x3c: {  	s17 =	sshrl.u32 s17, $0x2;
	v4 =	vld [tilespmem:s19+$0xFFFFFFE0]  }
0x3d: {  	v5 =	vld [tilespmem:s19+$0xFFFFFFF0];
	s18 =	sor.u32 $0x8000, s17  }
0x3e: {  	s31 =	sand.u32 $0x1, s13;
	v1 =	vld [tilespmem:s19+$0x0];
	s20 =	sadd.s32 $0x0, s18  }
0x3f: {  	v2 =	vld [tilespmem:s19+$0x10];
	s17 =	smul.u32 $0x10200, s31;
	[tilespmem:s20+$0x3870 ss:$0x81] =	vst.msk $0xffff, v0  }
0x40: {  	[tilespmem:s20+$0x810 ss:$0x81] =	vst.msk $0xffff, v3;
	v3 =	vld [tilespmem:s19+$0x20]  }
0x41: {  	s17 =	sshrl.u32 s17, $0x2;
	v0 =	vld [tilespmem:s19+$0xFFFFFFC0];
	[tilespmem:s20+$0x1020 ss:$0x81] =	vst.msk $0xffff, v4;
	s19 =	sadd.s32 $0x80, s19  }
0x42: {  	s21 =	simm.s32 $0x4;
	s22 =	simm.s32 $0x8;
	s17 =	sor.u32 $0x8000, s17;
	[tilespmem:s20+$0x1830 ss:$0x81] =	vst.msk $0xffff, v5;
	v4 =	vld [tilespmem:s19+$0x30]  }
.LBB1_3:
0x43: {  	p1 =	sne.s32 s22, $0x1FC;
	v5 =	vld [tilespmem:s19+$0xFFFFFFD0];
	[tilespmem:s20+$0x2040 ss:$0x81] =	vst.msk $0xffff, v1  }
0x44: {  	v6 =	vld [tilespmem:s19+$0xFFFFFFE0];
	[tilespmem:s20+$0x2850 ss:$0x81] =	vst.msk $0xffff, v2  }
0x45: {  	s23 =	sshra.s32 s21, $0x2;
	s21 =	smov.u32 s22;
	v7 =	vld [tilespmem:s19+$0xFFFFFFF0];
	[tilespmem:s20+$0x3060 ss:$0x81] =	vst.msk $0xffff, v3  }
.Ltmp3:
0x46: {  	v1 =	vld [tilespmem:s19+$0x0];
	[tilespmem:s20+$0x0 ss:$0x81] =	vst.msk $0xffff, v0;
	s20 =	sadd.s32 s23, s18;
	(pc) =	sbr.rel @p1 .LBB1_3-.Ltmp3, $4  }
0x47: {  	v2 =	vld [tilespmem:s19+$0x10];
	[tilespmem:s20+$0x3870 ss:$0x81] =	vst.msk $0xffff, v4  }
0x48: {  	[tilespmem:s20+$0x810 ss:$0x81] =	vst.msk $0xffff, v5;
	v3 =	vld [tilespmem:s19+$0x20]  }
0x49: {  	v0 =	vld [tilespmem:s19+$0xFFFFFFC0];
	[tilespmem:s20+$0x1020 ss:$0x81] =	vst.msk $0xffff, v6;
	s19 =	sadd.s32 $0x80, s19  }
0x4a: {  	s22 =	sadd.s32 $0x4, s22;
	v4 =	vld [tilespmem:s19+$0x30];
	[tilespmem:s20+$0x1830 ss:$0x81] =	vst.msk $0xffff, v7  }
.Ltmp4:
0x4b: {  	_ = 	snop;
	(pc) =	sbr.rel .LBB1_4-.Ltmp4, $1  }
0x4c: {  	_ =	sdelay $0x3  }
.LBB1_6:
0x4d: {  	_ =	sfence.sel $0x180000  }
0x4e: {  	s1 =	simm.s32 $0x1;
	[bflag:$0x0] =	sbarrier.arrive $0xFFFF  }
0x4f: {  	s31 =	simm.s32 $0x2;
	[sflag:s1] =	ssyncpa.u1 $0x1  }
0x50: {  	[sflag:s31] =	ssyncpa.u1 $0x1  }
0x51: {  	p0 =	sne.s32 s0, $0x0;
	_ =	strace $0x90000047  }
0x52: {  	s0 =	sadd.s32 @!p0 $0x100000, s3;
	[bflag:$0x2] =	sbarrier.arrive $0xFFFF  }
0x53: {  	[sflag:s0] =	ssyncadd.tile.s32 @!p0 $0x1;
	_ =	shalt  }
.Lfunc_end1:
_tile_overlayer_lowered:
.L_overlay_start_2:
0x54: {  	(tag) =	ssettag $0x2  }
0x55: {  	s0 =	rddreg [dreg:$0x0];
	s2 =	stileid.u32  }
0x56: {  	s1 =	rddreg [dreg:$0x1];
	p0 =	sne.s32 s2, $0x0  }
0x57: {  	s3 =	rddreg [dreg:$0x2];
	[bflag:$0x3] =	sbarrier.arrive $0xFFFF;
	s2 =	simm.s32 @!p0 $0x1C01  }
0x58: {  	[timem:s3], [sflag:s2] =	dma.local @!p0 [hbm:s0], s1  }
0x59: {  	s0 =	simm.s32 @!p0 $0x1  }
0x5a: {  	_ =	swait.ge @!p0 [sflag:s0], s1  }
0x5b: {  	s1 =	ssub.s32 @!p0 $0x0, s1;
	[sflag:s0] =	ssyncset.done @!p0 $0x0  }
0x5c: {  	[sflag:s0] =	ssyncadd.s32 @!p0 s1  }
0x5d: {  	[bflag:$0x3] =	sbarrier.arrive $0xFFFF  }
0x5e: {  	_ =	shalt  }

// kernel: sparse-core-data-format-call.cloned.1.call-start
scs
called_computation_lowered:
.L_overlay_start_0:
0x0: {  	s1 =	sld [smem:$0x3FD9]  }
0x1: {  	s2 =	sld [smem:$0x3FFE];
	_ =	sdelay $0x1  }
0x2: {  	s3 =	srdreg.scid  }
0x3: {  	s0 =	sand.u32 $0x1, s3  }
0x4: {  	s17 =	sshll.u32 s0, $0xA;
	s1 =	sadd.s32 s2, s1  }
0x5: {  	s1 =	sadd.s32 s1, s17  }
0x6: {  	[smem:$0x3FBB] =	sst s1  }
0x7: {  	_ = 	snop  }
0x8: {  	(tm) =	ssettm $0x1  }
0x9: {  	s18 =	sld [smem:$0x3FFB];
	_ =	sdelay $0x3  }
0xa: {  	_ =	strace s18  }
0xb: {  	s1 =	sld [smem:$0x3FFC];
	_ =	sdelay $0x3  }
0xc: {  	_ =	strace s1  }
0xd: {  	s1 =	sld [smem:$0x3FFD];
	_ =	sdelay $0x3  }
0xe: {  	_ =	strace s1  }
0xf: {  	_ =	strace $0x8FFFFFFF  }
0x10: {  	s19 =	sld [smem:$0x3FDB];
	_ =	sdelay $0x1  }
0x11: {  	s20 =	simm.s32 $_scs_section_size  }
0x12: {  	s4 =	simm.s32 $_size__tile_overlayer_lowered;
	s5 =	simm.s32 $_tile_overlayer_lowered  }
0x13: {  	s23 =	simm.s32 $0x1BFF;
	s22 =	sshll.u32 s5, $0x1;
	s1 =	sadd.s32 s20, s19  }
0x14: {  	s6 =	simm.s32 $0x0;
	s21 =	sshll.u32 s4, $0x1;
	s4 =	sadd.s32 s22, s1  }
0x15: {  	[timem:s6], [sflag:s23] =	dma.local [hbm:s4], s21  }
0x16: {  	_ =	swait.ge [sflag:s23], s21  }
0x17: {  	s2 =	ssub.s32 $0x0, s21;
	[sflag:s23] =	ssyncset.done $0x0  }
0x18: {  	[sflag:s23] =	ssyncadd.s32 s2;
	_ =	sdelay $0x1  }
0x19: {  	s24 =	simm.s32 $0x1B8B  }
0x1a: {  	_ =	swait.ge [sflag:s24], $0x1  }
0x1b: {  	[sflag:s24] =	ssyncset.done $0x0  }
0x1c: {  	s26 =	simm.s32 $0x1B8E;
	s25 =	sld [smem:$0x3FFE];
	[sflag:s24] =	ssyncadd.s32 $0xFFFFFFFF  }
0x1d: {  	s27 =	simm.s32 $execute0_lowered;
	[smem:$0x3FD2] =	sst s26  }
0x1e: {  	s4 =	sshll.u32 s27, $0x1;
	_ =	strace $0x80000049;
	[dreg:$0x1] =	wrdreg $0xFFFFFFFF  }
0x1f: {  	s28 =	simm.s32 $_size_execute0_lowered;
	s1 =	sadd.s32 s1, s4;
	[dreg:$0x0] =	wrdreg $0x0  }
0x20: {  	s4 =	sshll.u32 s28, $0x1;
	[dreg:$0x2] =	wrdreg s1  }
0x21: {  	[dreg:$0x3] =	wrdreg s4  }
0x22: {  	[dreg:$0x4] =	wrdreg $0xC0  }
0x23: {  	_ =	task [dreg:s6], $0x5FFFF  }
0x24: {  	[dreg:$0x1] =	wrdreg $0xFFFFFFFF  }
0x25: {  	[dreg:$0x0] =	wrdreg $0x60  }
0x26: {  	[dreg:$0x2] =	wrdreg s25  }
0x27: {  	[dreg:$0x3] =	wrdreg $0x9  }
0x28: {  	_ =	task.clear_ibuf [dreg:s6], $0x4FFFF;
	_ =	strace $0x90000049  }
0x29: {  	s29 =	simm.s32 $0x9;
	_ =	strace $0x8000004B  }
0x2a: {  	_ =	swait.ge [sflag:s29], $0x1  }
0x2b: {  	[sflag:s29] =	ssyncadd.s32 $0xFFFFFFFF  }
0x2c: {  	_ =	strace $0x9000004B  }
0x2d: {  	_ =	sfence  }
0x2e: {  	s30 =	sld [smem:$0x0];
	_ =	sdelay $0x2  }
0x2f: {  	s31 =	sshll.u32 s3, $0xD;
	s3 =	sshrl.u32 s3, $0x2  }
0x30: {  	s2 =	sand.u32 $0x4000, s31;
	s1 =	sadd.s32 s3, s30  }
0x31: {  	s0 =	sor.u32 s2, s0;
	s1 =	sshll.u32 s1, $0x11  }
0x32: {  	s0 =	sor.u32 s1, s0  }
0x33: {  	s0 =	sadd.s32 $0x8F2B, s0  }
0x34: {  	[sflag:s0] =	ssyncadd.remote.s32 $0x1  }
0x35: {  	_ =	sfence.sel $0xFFFF  }
0x36: {  	[dreg:$0x0] =	wrdreg $0xFFFFFFFF;
	(pc) =	sbr.abs _section_cstart, $3  }
0x37: {  	[dreg:$0x1] =	wrdreg $0xFFFFFFFF  }
0x38: {  	_ =	task.clear_ibuf [dreg:s6], $0x2FFFF;
	_ =	strace $0x9FFFFFFF  }
0x39: {  	(tm) =	ssettm $0x7FFFFFFF  }
tec
execute0_lowered:
.L_overlay_start_1:
0x0: {  	(tag) =	ssettag $0x1  }
0x1: {  	s0 =	stileid.u32;
	s1 =	srdreg.scid  }
0x2: {  	s2 =	sshll.u32 s0, $0x6;
	s1 =	sshll.u32 s1, $0xA  }
0x3: {  	s8 =	rddreg [dreg:$0x0];
	s9 =	simm.s32 $0x2;
	s1 =	sor.u32 s2, s1  }
0x4: {  	s18 =	simm.s32 $0x0;
	s10 =	simm.s32 $0x4000;
	s1 =	sand.u32 $0x780, s1  }
0x5: {  	s17 =	simm.s32 $0x0;
	s2 =	sand.u32 $0x1, s0;
	s3 =	ssub.s32 $0x1000, s1  }
0x6: {  	s16 =	simm.s32 $0x0;
	s4 =	ssub.s32 $0x2, s2;
	s5 =	sand.u32 $0x780, s3  }
0x7: {  	s6 =	sshrl.u32 s4, $0x1;
	p0 =	sne.s32 s5, $0x0;
	s5 =	simm.s32 $0x1  }
0x8: {  	s4 =	sand.u32 $0x1, s4;
	s3 =	sshrl.u32 s3, $0xB;
	s5 =	simm.s32 @!p0 $0x0  }
0x9: {  	s19 =	simm.s32 $0x0;
	s4 =	sadd.s32 s4, s6;
	s5 =	sadd.s32 s5, s3  }
0xa: {  	s11 =	simm.s32 $0x0;
	s12 =	simm.s32 $0x0;
	s6 =	smul.u32 s5, s4  }
.Ltmp0:
0xb: {  	s15 =	simm.s32 $0x0;
	s7 =	sadd.s32 $0xE60000, s8;
	(pc) =	sbr.rel .LBB1_1-.Ltmp0, $4  }
0xc: {  	s14 =	smov.u32 s2;
	s13 =	smov.u32 s1;
	s3 =	rddreg [dreg:$0x1]  }
0xd: {  	_ =	strace $0x8000004A;
	s5 =	simm.s32 $0x1;
	s6 =	smul.u32 $0x110, s6  }
0xe: {  	p0 =	por $0x0, $0x0;
	s4 =	sadd.s32 $0x860000, s8;
	[sflag:s5] =	ssyncpa.u1 $0x0  }
0xf: {  	s8 =	sadd.s32 $0xE71000, s8;
	[sflag:s9] =	ssyncpa.u1 $0x0;
	s9 =	sor.u32 $0x1, s6  }
.LBB1_4:
0x10: {  	s23 =	sshll.u32 s18, $0xC;
	s24 =	sshll.u32 s16, $0x3  }
0x11: {  	s23 =	sand.u32 $0xFFFF8000, s23;
	s25 =	sand.u32 $0xFFFFFC00, s24  }
0x12: {  	s31 =	sshll.u32 s18, $0x7;
	s19 =	smul.u32 $0x220000, s19;
	s23 =	sadd.s32 s25, s23  }
0x13: {  	s26 =	sshll.u32 s16, $0x1;
	s17 =	smul.u32 $0x11000, s17;
	s23 =	sshrl.u32 s23, $0xC  }
0x14: {  	s26 =	sand.u32 $0xF0, s26;
	s24 =	sand.u32 $0xC00, s24;
	s30 =	smulhi.u32 $0xF0F0F1, s23  }
0x15: {  	v0 =	vperm.xlane.i2c.b16 v1;
	s27 =	sadd.s32 $0x1, s22;
	s18 =	sand.u32 $0x300, s31;
	s24 =	sor.u32 s24, s26  }
0x16: {  	s28 =	sadd.s32 s19, s17;
	s19 =	sadd.s32 s19, s8;
	s25 =	smul.u32 $0x110, s30  }
0x17: {  	v1 =	vcombine.low v0, v0;
	s18 =	sor.u32 s18, s24;
	s29 =	sadd.s32 s7, s28;
	s17 =	sadd.s32 s17, s19  }
0x18: {  	[tilespmem:s22+$0x408 ss:$0x81] =	vst.msk $0xff, v2;
	v0 =	vcombine.high v0, v0;
	s18 =	sshrl.u32 s18, $0x4;
	s30 =	sand.u32 $0x7, s16;
	s23 =	ssub.s32 s23, s25  }
0x19: {  	[tilespmem:s27+$0x0 ss:$0x81] =	vst.msk $0xff, v1;
	s22 =	sadd.s32 s18, s29;
	s16 =	sshll.u32 s30, $0x12;
	s23 =	sshll.u32 s23, $0x8  }
0x1a: {  	[tilespmem:s27+$0x408 ss:$0x81] =	vst.msk $0xff, v0;
	s17 =	sadd.s32 s18, s17;
	s16 =	sor.u32 $0x200, s16;
	s22 =	sadd.s32 s23, s22  }
0x1b: {  	[hbm4b:s22+s16] =	stream.strided.scatter [tilespmem:s21], [sflag:$0x2], $0x400, s10, s16, $0x20;
	[tilespmem:$0x2020] =	vst v63  }
0x1c: {  	s31 =	sadd.s32 $0x1408, s20;
	s17 =	sadd.s32 s23, s17  }
0x1d: {  	[hbm4b:s17+s16] =	stream.strided.scatter [tilespmem:s31], [sflag:$0x2], $0x400, s10, s16, $0x20;
	[tilespmem:$0x2020] =	vst v63  }
.LBB1_5:
0x1e: {  	s20 =	sadd.s32 $0x10, s11  }
0x1f: {  	s16 =	sadd.s32 $0x2, s12;
	s21 =	smov.u32 s12;
	p2 =	sgt.s32 s20, $0x10B  }
0x20: {  	s21 =	smov.u32 @p2 s16  }
0x21: {  	s22 =	smov.u32 s13;
	s16 =	sadd.s32 $0x800, s13;
	p3 =	sgt.s32 s21, $0x1F  }
0x22: {  	s22 =	smov.u32 @p3 s16  }
0x23: {  	s23 =	smov.u32 s14;
	s16 =	sadd.s32 $0x2, s14;
	p4 =	sgt.s32 s22, $0xFFF  }
0x24: {  	p1 =	slt.u32 s15, $0x2;
	s23 =	smov.u32 @p4 s16  }
0x25: {  	s18 =	smov.u32 s11;
	s20 =	simm.s32 @p2 $0x0;
	p2 =	sgt.s32 s23, $0x1  }
0x26: {  	s24 =	simm.s32 @!p1 $0x2;
	s23 =	smov.u32 @p2 s2;
	p2 =	sne.s32 s15, s9  }
.Ltmp1:
0x27: {  	s17 =	smov.u32 s12;
	_ =	swait.ge @!p1 [sflag:s24], $0x800;
	(pc) =	sbr.rel @!p2 .LBB1_6-.Ltmp1, $4  }
0x28: {  	s19 =	smov.u32 s14;
	p0 =	por !p0, !p0;
	[sflag:s24] =	ssyncset.done @!p1 $0x0  }
0x29: {  	s11 =	smov.u32 s20;
	s21 =	simm.s32 @p3 $0x0;
	[sflag:s24] =	ssyncadd.s32 @!p1 $0xFFFFF800  }
0x2a: {  	s12 =	smov.u32 s21;
	s22 =	smov.u32 @p4 s1;
	s16 =	smov.u32 s13  }
0x2b: {  	s13 =	smov.u32 s22;
	s15 =	sadd.s32 $0x1, s15;
	s14 =	smov.u32 s23  }
.LBB1_1:
0x2c: {  	p1 =	sge.u32 s15, s6  }
0x2d: {  	s20 =	sshrl.u32 @!p1 s12, $0x3  }
0x2e: {  	s21 =	sshll.u32 @!p1 s11, $0x3;
	s20 =	smul.u32 @!p1 $0xC00, s20  }
0x2f: {  	s22 =	sshll.u32 @!p1 s12, $0x7;
	s21 =	sand.u32 @!p1 $0xFFFFFC00, s21  }
0x30: {  	s20 =	sadd.s32 @!p1 s20, s21;
	s21 =	sand.u32 @!p1 $0x300, s22;
	s22 =	sshll.u32 @!p1 s11, $0x1  }
0x31: {  	s20 =	sor.u32 @!p1 s21, s20;
	s21 =	sand.u32 @!p1 $0xFE, s22  }
0x32: {  	s22 =	sand.u32 @!p1 $0x1, s12;
	s20 =	sor.u32 @!p1 s21, s20  }
0x33: {  	s21 =	sor.u32 @!p1 s22, s20;
	s20 =	smulhi.u32 @!p1 $0xAAAAAAAB, s20  }
0x34: {  	s22 =	smulhi.u32 @!p1 $0xAAAAAAAB, s21  }
0x35: {  	s23 =	smul.u32 @!p1 $0x300000, s14  }
0x36: {  	s24 =	smul.u32 @!p1 $0x300, s13;
	s20 =	sshrl.u32 @!p1 s20, $0x8;
	s22 =	sshrl.u32 @!p1 s22, $0x8  }
0x37: {  	s20 =	sand.u32 @!p1 $0x1F, s20;
	s22 =	smul.u32 @!p1 $0x180, s22  }
0x38: {  	s31 =	sadd.s32 $0xFFFFFFFF, s15;
	s23 =	sadd.s32 @!p1 s4, s23;
	s20 =	smul.u32 @!p1 $0x18, s20  }
0x39: {  	s25 =	sxor.u32 @!p1 $0xFFFFFFFF, s15;
	s21 =	ssub.s32 @!p1 s21, s22;
	s22 =	sadd.s32 @!p1 s24, s23  }
0x3a: {  	s23 =	sshrl.u32 @!p1 s21, $0x4;
	s20 =	sadd.s32 @!p1 s20, s22;
	s21 =	sshll.u32 @!p1 s21, $0x11  }
0x3b: {  	s22 =	sshll.u32 @!p1 s25, $0xB;
	s20 =	sadd.s32 @!p1 s23, s20;
	s21 =	sand.u32 @!p1 $0x1C0000, s21  }
0x3c: {  	s22 =	sand.u32 @!p1 $0x800, s22;
	s23 =	simm.s32 @!p1 $0x1800;
	s21 =	sor.u32 @!p1 $0x10, s21  }
0x3d: {  	[tilespmem:s22], [sflag:$0x1] =	stream.strided.gather @!p1 [hbm4b:s20+s21], $0x800, s23, s21, $0x38;
	[tilespmem:$0x2020] =	vst v63  }
0x3e: {  	p1 =	sge.u32 s31, s6  }
.Ltmp2:
0x3f: {  	_ = 	snop;
	(pc) =	sbr.rel @p1 .LBB1_5-.Ltmp2, $1  }
0x40: {  	_ =	sdelay $0x3  }
0x41: {  	s20 =	simm.s32 $0x1  }
0x42: {  	s20 =	simm.s32 @!p0 $0x0  }
0x43: {  	s21 =	sshll.u32 s20, $0xB  }
0x44: {  	v0 =	vmov s21;
	_ =	sdelay $0x1  }
0x45: {  	_ =	swait.ge [sflag:s5], $0x800  }
0x46: {  	[sflag:s5] =	ssyncset.done $0x0  }
0x47: {  	s30 =	simm.s32 $0x0;
	[sflag:s5] =	ssyncadd.s32 $0xFFFFF800  }
0x48: {  	v1 =	vld.idx.msk [tilespmem:v0+s30+$0x0 ss:$0x1], $0xffff;
	_ =	sdelay $0x4  }
0x49: {  	s31 =	sand.u32 $0x1, s15;
	s23 =	simm.s32 $0x10;
	s20 =	smul.u32 $0x2040, s20;
	v2 =	vperm.xlane.i2c.b16 v1  }
0x4a: {  	s21 =	smul.u32 $0x2040, s31;
	v1 =	vld.idx.msk [tilespmem:v0+s23+$0x0 ss:$0x1], $0xffff  }
0x4b: {  	s20 =	sshrl.u32 s20, $0x2;
	v3 =	vcombine.low v2, v2  }
0x4c: {  	s22 =	sor.u32 $0x1000, s20;
	s20 =	sshrl.u32 s21, $0x2;
	v2 =	vcombine.high v2, v2  }
0x4d: {  	s21 =	sor.u32 $0x1000, s20;
	s23 =	simm.s32 $0x80;
	[tilespmem:s22+$0x0 ss:$0x81] =	vst.msk $0xff, v3  }
.LBB1_3:
0x4e: {  	s24 =	sshra.s32 s23, $0x2;
	[tilespmem:s22+$0x408 ss:$0x81] =	vst.msk $0xff, v2;
	p1 =	sne.s32 s23, $0x1FC0  }
.Ltmp3:
0x4f: {  	s23 =	sadd.s32 $0x40, s23;
	v2 =	vperm.xlane.i2c.b16 v1;
	v1 =	vld.idx.msk [tilespmem:v0+s24+$0x0 ss:$0x1], $0xffff;
	(pc) =	sbr.rel @p1 .LBB1_3-.Ltmp3, $4  }
0x50: {  	_ = 	snop  }
0x51: {  	v3 =	vcombine.low v2, v2  }
0x52: {  	s22 =	sadd.s32 $0x1, s22;
	v2 =	vcombine.high v2, v2  }
0x53: {  	[tilespmem:s22+$0x0 ss:$0x81] =	vst.msk $0xff, v3  }
.Ltmp4:
0x54: {  	_ = 	snop;
	(pc) =	sbr.rel .LBB1_4-.Ltmp4, $1  }
0x55: {  	_ =	sdelay $0x3  }
.LBB1_6:
0x56: {  	_ =	sfence.sel $0x180000  }
0x57: {  	s1 =	simm.s32 $0x1;
	[bflag:$0x0] =	sbarrier.arrive $0xFFFF  }
0x58: {  	s31 =	simm.s32 $0x2;
	[sflag:s1] =	ssyncpa.u1 $0x1  }
0x59: {  	[sflag:s31] =	ssyncpa.u1 $0x1  }
0x5a: {  	p0 =	sne.s32 s0, $0x0;
	_ =	strace $0x9000004A  }
0x5b: {  	s0 =	sadd.s32 @!p0 $0x100000, s3;
	[bflag:$0x2] =	sbarrier.arrive $0xFFFF  }
0x5c: {  	[sflag:s0] =	ssyncadd.tile.s32 @!p0 $0x1;
	_ =	shalt  }
.Lfunc_end1:
_tile_overlayer_lowered:
.L_overlay_start_2:
0x5d: {  	(tag) =	ssettag $0x2  }
0x5e: {  	s0 =	rddreg [dreg:$0x0];
	s2 =	stileid.u32  }
0x5f: {  	s1 =	rddreg [dreg:$0x1];
	p0 =	sne.s32 s2, $0x0  }
0x60: {  	s3 =	rddreg [dreg:$0x2];
	[bflag:$0x3] =	sbarrier.arrive $0xFFFF;
	s2 =	simm.s32 @!p0 $0x1C01  }
0x61: {  	[timem:s3], [sflag:s2] =	dma.local @!p0 [hbm:s0], s1  }
0x62: {  	s0 =	simm.s32 @!p0 $0x1  }
0x63: {  	_ =	swait.ge @!p0 [sflag:s0], s1  }
0x64: {  	s1 =	ssub.s32 @!p0 $0x0, s1;
	[sflag:s0] =	ssyncset.done @!p0 $0x0  }
0x65: {  	[sflag:s0] =	ssyncadd.s32 @!p0 s1  }
0x66: {  	[bflag:$0x3] =	sbarrier.arrive $0xFFFF  }
0x67: {  	_ =	shalt  }

</sc_bundles>
